<compile_context>
chip_gen: v7x
topology: tpu7x:2x2x1
jax: 0.10.2.dev20260603
libtpu: 0.0.44.dev20260713+nightly
codegen_flags: <defaults>
</compile_context>

<pallas_src>
import dataclasses
import functools

import jax
import jax.numpy as jnp
import numpy as np
from jax import lax
from jax.experimental import pallas as pl
from jax.experimental.pallas import tpu as pltpu
from jax.experimental.pallas import tpu_sc as plsc

E = 8
K = 2
D = 768
H = 3072
N = 2048
NK = N * K
BLK = 256
NB = 23
MPAD = NB * BLK
R = 256
NBPAD = 32

_EPS = np.float64(np.finfo(np.float64).eps)

_vector_mesh = None


def _sc_compiler_params():
    cp = pltpu.CompilerParams()
    if "needs_layout_passes" in pltpu.CompilerParams.__dataclass_fields__:
        cp = dataclasses.replace(cp, needs_layout_passes=False)
    return cp


def _get_mesh():
    global _vector_mesh
    if _vector_mesh is None:
        _vector_mesh = plsc.VectorSubcoreMesh(
            core_axis_name="core", subcore_axis_name="subcore")
    return _vector_mesh


def _routing_body(x_ref, wg_ref, pos_ref, tok_ref, gate_ref, be_ref):
    x = x_ref[...]
    wg = wg_ref[...]
    logits = lax.dot_general(x, wg, (((1,), (1,)), ((), ())),
                             preferred_element_type=jnp.float32)
    lane = lax.broadcasted_iota(jnp.int32, (N, E), 1)
    m1 = jnp.max(logits, axis=1, keepdims=True)
    i1 = jnp.min(jnp.where(logits == m1, lane, E), axis=1, keepdims=True)
    masked = jnp.where(lane == i1, -jnp.inf, logits)
    m2 = jnp.max(masked, axis=1, keepdims=True)
    i2 = jnp.min(jnp.where(masked == m2, lane, E), axis=1, keepdims=True)
    b = jnp.exp(m2 - m1)
    inv = 1.0 / (1.0 + b)
    g1 = inv
    g2 = b * inv

    oh1 = (lane == i1).astype(jnp.float32)
    oh2 = (lane == i2).astype(jnp.float32)
    ohf = jnp.concatenate([oh1, oh2], axis=0)

    ri = lax.broadcasted_iota(jnp.int32, (R, R), 0)
    rj = lax.broadcasted_iota(jnp.int32, (R, R), 1)
    tri = (rj <= ri).astype(jnp.float32)
    prefix = jnp.zeros((1, E), jnp.float32)
    parts = []
    for q in range(NK // R):
        blk = ohf[q * R:(q + 1) * R]
        cb = lax.dot_general(tri, blk, (((1,), (0,)), ((), ())),
                             preferred_element_type=jnp.float32) + prefix
        parts.append(cb)
        prefix = cb[R - 1:R, :]
    cincl = jnp.concatenate(parts, axis=0)
    counts = prefix.astype(jnp.int32)

    nb = (counts + (BLK - 1)) // BLK
    tri8 = (lax.broadcasted_iota(jnp.int32, (E, E), 0)
            <= lax.broadcasted_iota(jnp.int32, (E, E), 1)).astype(jnp.float32)
    cum_nb = lax.dot_general(nb.astype(jnp.float32), tri8,
                             (((1,), (0,)), ((), ())),
                             preferred_element_type=jnp.float32)
    bstart = (cum_nb - nb.astype(jnp.float32)) * float(BLK)

    pos = jnp.sum(ohf * (bstart + cincl - 1.0), axis=1, keepdims=True)
    pos_ref[...] = pos.astype(jnp.int32)

    toks = lax.broadcasted_iota(jnp.int32, (N, 1), 0)
    tok_ref[...] = jnp.concatenate([toks, toks], axis=0)
    gate_ref[...] = jnp.concatenate([g1, g2], axis=0)

    bi = lax.broadcasted_iota(jnp.int32, (NBPAD, E), 0)
    ge = (bi >= cum_nb.astype(jnp.int32)).astype(jnp.int32)
    be = jnp.minimum(jnp.sum(ge, axis=1, keepdims=True), E - 1)
    be_ref[...] = be


def _routing(x, w_gate):
    return pl.pallas_call(
        _routing_body,
        out_shape=(
            jax.ShapeDtypeStruct((NK, 1), jnp.int32),
            jax.ShapeDtypeStruct((NK, 1), jnp.int32),
            jax.ShapeDtypeStruct((NK, 1), jnp.float32),
            jax.ShapeDtypeStruct((NBPAD, 1), jnp.int32),
        ),
    )(x, w_gate)


@jax.jit
def _scatter_dispatch(tok, gate, pos):
    @functools.partial(
        pl.kernel,
        out_type=(
            jax.ShapeDtypeStruct((MPAD,), jnp.int32),
            jax.ShapeDtypeStruct((MPAD,), jnp.float32),
        ),
        mesh=_get_mesh(),
        compiler_params=_sc_compiler_params(),
        scratch_types=[
            pltpu.VMEM((NK,), jnp.int32),
            pltpu.VMEM((NK,), jnp.float32),
            pltpu.VMEM((NK,), jnp.int32),
            pltpu.VMEM((MPAD,), jnp.int32),
            pltpu.VMEM((MPAD,), jnp.float32),
            pltpu.SemaphoreType.DMA,
        ],
    )
    def kern(tok_hbm, gate_hbm, pos_hbm, rtt_hbm, gsort_hbm,
             tok_v, gate_v, pos_v, rtt_v, gs_v, sem):
        wid = lax.axis_index("core") * 16 + lax.axis_index("subcore")

        @pl.when(wid == 0)
        def _():
            pltpu.async_copy(tok_hbm.at[0], tok_v, sem).wait()
            pltpu.async_copy(gate_hbm.at[0], gate_v, sem).wait()
            pltpu.async_copy(pos_hbm.at[0], pos_v, sem).wait()

            z_i = jnp.zeros((16,), jnp.int32)
            z_f = jnp.zeros((16,), jnp.float32)

            @pl.loop(0, MPAD, step=16)
            def _(i):
                rtt_v[pl.ds(i, 16)] = z_i
                gs_v[pl.ds(i, 16)] = z_f

            @pl.loop(0, NK, step=16)
            def _(i):
                idx = pos_v[pl.ds(i, 16)]
                plsc.store_scatter(rtt_v, [idx], tok_v[pl.ds(i, 16)])
                plsc.store_scatter(gs_v, [idx], gate_v[pl.ds(i, 16)])

            pltpu.async_copy(rtt_v, rtt_hbm, sem).wait()
            pltpu.async_copy(gs_v, gsort_hbm, sem).wait()

    return kern(tok, gate, pos)


GW = 128
DW = D // 2


@jax.jit
def _gather_x(x_i, rtt):
    @functools.partial(
        pl.kernel,
        out_type=jax.ShapeDtypeStruct((MPAD, DW), jnp.int32),
        mesh=_get_mesh(),
        compiler_params=_sc_compiler_params(),
        scratch_types=[pltpu.VMEM((GW,), jnp.int32)],
    )
    def kern(x_hbm, rtt_hbm, xs_hbm, clamp_v):
        def body(idx_v, o_v):
            @pl.loop(0, GW, step=16)
            def _(i):
                v = idx_v[0, pl.ds(i, 16)]
                clamp_v[pl.ds(i, 16)] = jnp.minimum(
                    jnp.maximum(v, 0), N - 1)

            pltpu.sync_copy(x_hbm.at[clamp_v], o_v)

        pltpu.emit_pipeline(
            body,
            grid=(MPAD // GW,),
            in_specs=[pl.BlockSpec((1, GW), lambda i: (0, i))],
            out_specs=[pl.BlockSpec((GW, DW), lambda i: (i, 0))],
            core_axis_name=("core", "subcore"),
            dimension_semantics=(pltpu.PARALLEL,),
        )(rtt_hbm, xs_hbm)

    return kern(x_i, rtt)


def _ffn_body(be_ref, gate_ref, x_ref, w1_ref, b1_ref, w2_ref, b2_ref, o_ref):
    del be_ref
    w1 = w1_ref[0]
    xb = x_ref[...].astype(w1.dtype)
    h = lax.dot_general(xb, w1, (((1,), (1,)), ((), ())),
                        preferred_element_type=jnp.float32)
    h = jnp.maximum(h + b1_ref[0], 0.0)
    w2 = w2_ref[0]
    out = lax.dot_general(h.astype(w2.dtype), w2,
                          (((1,), (1,)), ((), ())),
                          preferred_element_type=jnp.float32)
    out = out + b2_ref[0]
    m = jnp.max(out, axis=1, keepdims=True)
    p = jnp.exp(out - m)
    s = jnp.sum(p, axis=1, keepdims=True)
    o_ref[...] = ((p / s) * gate_ref[0]).astype(jnp.bfloat16)


def _ffn(be, gsort, xs, W1, b1, W2, b2):
    grid_spec = pltpu.PrefetchScalarGridSpec(
        num_scalar_prefetch=1,
        grid=(NB,),
        in_specs=[
            pl.BlockSpec((1, BLK, 1), lambda i, be: (i, 0, 0)),
            pl.BlockSpec((BLK, D), lambda i, be: (i, 0)),
            pl.BlockSpec((1, H, D), lambda i, be: (be[i], 0, 0)),
            pl.BlockSpec((1, 1, H), lambda i, be: (be[i], 0, 0)),
            pl.BlockSpec((1, D, H), lambda i, be: (be[i], 0, 0)),
            pl.BlockSpec((1, 1, D), lambda i, be: (be[i], 0, 0)),
        ],
        out_specs=pl.BlockSpec((BLK, D), lambda i, be: (i, 0)),
    )
    return pl.pallas_call(
        _ffn_body,
        grid_spec=grid_spec,
        out_shape=jax.ShapeDtypeStruct((MPAD, D), jnp.bfloat16),
        compiler_params=pltpu.CompilerParams(
            dimension_semantics=("arbitrary",)),
    )(be, gsort, xs, W1, b1, W2, b2)


CW = 128


@jax.jit
def _combine_gather(outs_i, pos2):
    @functools.partial(
        pl.kernel,
        out_type=jax.ShapeDtypeStruct((2 * N, DW), jnp.int32),
        mesh=_get_mesh(),
        compiler_params=_sc_compiler_params(),
    )
    def kern(os_hbm, pos_hbm, c_hbm):
        def body(i_v, o_v):
            pltpu.sync_copy(os_hbm.at[i_v.at[0]], o_v)

        pltpu.emit_pipeline(
            body,
            grid=(2, N // CW),
            in_specs=[pl.BlockSpec((1, CW), lambda s, i: (s, i))],
            out_specs=[pl.BlockSpec((CW, DW),
                                    lambda s, i: (s * (N // CW) + i, 0))],
            core_axis_name=("core", "subcore"),
            dimension_semantics=(pltpu.PARALLEL, pltpu.PARALLEL),
        )(pos_hbm, c_hbm)

    return kern(outs_i, pos2)


def _finalize_body(c0_ref, c1_ref, o_ref):
    c = c0_ref[...].astype(jnp.float32) + c1_ref[...].astype(jnp.float32)
    c = jnp.where(c == 0.0, jnp.float32(_EPS), c)
    o_ref[...] = jnp.log(c)


def _finalize(c2):
    nblk = 8
    return pl.pallas_call(
        _finalize_body,
        grid=(nblk,),
        in_specs=[
            pl.BlockSpec((N // nblk, D), lambda i: (i, 0)),
            pl.BlockSpec((N // nblk, D), lambda i: (i + nblk, 0)),
        ],
        out_specs=pl.BlockSpec((N // nblk, D), lambda i: (i, 0)),
        out_shape=jax.ShapeDtypeStruct((N, D), jnp.float32),
    )(c2, c2)


def kernel(x, w_gate, W1, b1, W2, b2):
    pos, tok, gate, be = _routing(x, w_gate)
    rtt, gsort = _scatter_dispatch(tok.reshape(1, NK), gate.reshape(1, NK),
                                   pos.reshape(1, NK))
    x_i = lax.bitcast_convert_type(
        x.astype(jnp.bfloat16).reshape(N, DW, 2), jnp.int32)
    xs_i = _gather_x(x_i, rtt.reshape(1, MPAD))
    xs = lax.bitcast_convert_type(xs_i, jnp.bfloat16).reshape(MPAD, D)
    outs = _ffn(be.reshape(NBPAD), gsort.reshape(NB, BLK, 1), xs,
                W1, b1.reshape(E, 1, H), W2, b2.reshape(E, 1, D))
    outs_i = lax.bitcast_convert_type(outs.reshape(MPAD, DW, 2), jnp.int32)
    c_i = _combine_gather(outs_i, pos.reshape(2, N))
    c2 = lax.bitcast_convert_type(c_i, jnp.bfloat16).reshape(2 * N, D)
    return _finalize(c2)

# --- scband reference (transcript-rebuilt; emitter-appended) ---
"""Pipeline reference for scband-smo-e-22016002359372 (READ-ONLY COPY).

The authoritative reference and input builder live on the scoring server;
editing this copy changes nothing except your own understanding.
"""

import jax, jax.numpy as jnp
import numpy as np

E = 8
K = 2
D = 768
H = 3072
N = 2048


def setup_inputs(seed: int = 0) -> dict:
    key = jax.random.key(seed)
    ks = jax.random.split(key, 6)
    x = jax.random.normal(ks[0], (N, D), dtype=jnp.float32)
    w_gate = jax.random.normal(ks[1], (E, D), dtype=jnp.float32) * 0.02
    W1 = jax.random.normal(ks[2], (E, H, D), dtype=jnp.float32) * 0.02
    b1 = jnp.zeros((E, H), dtype=jnp.float32)
    W2 = jax.random.normal(ks[3], (E, D, H), dtype=jnp.float32) * 0.02
    b2 = jnp.zeros((E, D), dtype=jnp.float32)
    return {"x": x, "w_gate": w_gate, "W1": W1, "b1": b1, "W2": W2, "b2": b2}


def reference(x, w_gate, W1, b1, W2, b2):
    # --- noisy_top_k_gating (eval mode: no noise added) ---
    logits = x @ w_gate.T                              # [N, E]
    top_logits, top_idx = jax.lax.top_k(logits, K)     # [N, K]
    top_gates = jax.nn.softmax(top_logits, axis=1)     # softmax over the top-k logits
    one_hot = jax.nn.one_hot(top_idx, E, dtype=x.dtype)  # [N, K, E]
    gates = jnp.einsum('nke,nk->ne', one_hot, top_gates)  # sparse gates scattered back, [N, E]

    # --- experts (SMoE_MLP: fc1 -> relu -> fc2 -> log_softmax; dropout is identity in eval) ---
    # Dense-equivalent of SparseDispatcher: tokens with gates[b,e] == 0 contribute 0 in combine.
    h = jnp.einsum('nd,ehd->neh', x, W1) + b1[None, :, :]   # [N, E, H]
    h = jax.nn.relu(h)
    out = jnp.einsum('neh,edh->ned', h, W2) + b2[None, :, :]  # [N, E, D]
    log_probs = jax.nn.log_softmax(out, axis=-1)

    # --- SparseDispatcher.combine: exp, multiply by gates, index_add (sum over experts), eps floor, log ---
    stitched = jnp.exp(log_probs) * gates[:, :, None]   # [N, E, D]
    combined = jnp.sum(stitched, axis=1)                # [N, D]
    eps = np.finfo(float).eps
    combined = jnp.where(combined == 0, eps, combined)
    return jnp.log(combined)

if __name__ == "__main__":
    import jax
    _d = setup_inputs()
    print(jax.jit(kernel)(*tuple(_d.values())))

</pallas_src>

<mosaic_0001>
#map = affine_map<(d0, d1) -> (0, 0)>
#map1 = affine_map<(d0, d1) -> (0)>
module attributes {stable_mosaic.version = 14 : i64} {
  func.func @kern(%arg0: i32, %arg1: i32, %arg2: memref<1x4096xi32, #tpu.memory_space<hbm>>, %arg3: memref<1x4096xf32, #tpu.memory_space<hbm>>, %arg4: memref<1x4096xi32, #tpu.memory_space<hbm>>, %arg5: memref<5888xi32, #tpu.memory_space<hbm>>, %arg6: memref<5888xf32, #tpu.memory_space<hbm>>, %arg7: memref<4096xi32, #tpu.memory_space<vmem>>, %arg8: memref<4096xf32, #tpu.memory_space<vmem>>, %arg9: memref<4096xi32, #tpu.memory_space<vmem>>, %arg10: memref<5888xi32, #tpu.memory_space<vmem>>, %arg11: memref<5888xf32, #tpu.memory_space<vmem>>, %arg12: memref<!tpu.dma_semaphore, #tpu.memory_space<semaphore_mem>>) attributes {dimension_semantics = [#tpu.dimension_semantics<core_parallel>, #tpu.dimension_semantics<subcore_parallel>], iteration_bounds = array<i64: 2, 16>, scalar_prefetch = 0 : i64, scratch_operands = 6 : i64, tpu.core_type = #tpu.core_type<sc_vector_subcore>, window_params = [{transform_indices = #map}, {transform_indices = #map}, {transform_indices = #map}, {transform_indices = #map1}, {transform_indices = #map1}]} {
    %mul3A = arith.constant 16 : i32
    %mul3A_0 = arith.muli %arg0, %mul3A : i32
    %add3A = arith.addi %mul3A_0, %arg1 : i32
    %eq3A = arith.constant 0 : i32
    %eq3A_1 = arith.cmpi eq, %add3A, %eq3A : i32
    %convert_element_type3A = arith.extui %eq3A_1 : i1 to i32
    %cond3A = arith.constant 0 : i32
    %cond3A_2 = arith.cmpi ne, %convert_element_type3A, %cond3A : i32
    scf.if %cond3A_2 {
      %dma_start3A = arith.constant 0 : i32
      %dma_start3A_3 = arith.constant 0 : i32
      %dma_start3A_4 = tpu.memref_slice %arg2[%dma_start3A, %dma_start3A_3] : memref<1x4096xi32, #tpu.memory_space<hbm>> -> memref<1x4096xi32, #tpu.memory_space<hbm>>
      %dma_start3A_5 = tpu.memref_squeeze %dma_start3A_4 : memref<1x4096xi32, #tpu.memory_space<hbm>> -> memref<4096xi32, #tpu.memory_space<hbm>>
      %dma_start3A_6 = arith.constant 0 : i32
      %dma_start3A_7 = tpu.memref_slice %arg2[%dma_start3A, %dma_start3A_6] : memref<1x4096xi32, #tpu.memory_space<hbm>> -> memref<1x4096xi32, #tpu.memory_space<hbm>>
      %dma_start3A_8 = tpu.memref_squeeze %dma_start3A_7 : memref<1x4096xi32, #tpu.memory_space<hbm>> -> memref<4096xi32, #tpu.memory_space<hbm>>
      tpu.enqueue_dma source(%dma_start3A_8 : memref<4096xi32, #tpu.memory_space<hbm>>) target(%arg7 : memref<4096xi32, #tpu.memory_space<vmem>>) target_semaphore(%arg12 : memref<!tpu.dma_semaphore, #tpu.memory_space<semaphore_mem>>)
      %dma_wait3A = arith.constant 0 : i32
      %dma_wait3A_9 = arith.constant 0 : i32
      %dma_wait3A_10 = tpu.memref_slice %arg2[%dma_wait3A, %dma_wait3A_9] : memref<1x4096xi32, #tpu.memory_space<hbm>> -> memref<1x4096xi32, #tpu.memory_space<hbm>>
      %dma_wait3A_11 = tpu.memref_squeeze %dma_wait3A_10 : memref<1x4096xi32, #tpu.memory_space<hbm>> -> memref<4096xi32, #tpu.memory_space<hbm>>
      %dma_wait3A_12 = arith.constant 0 : i32
      %dma_wait3A_13 = tpu.memref_slice %arg2[%dma_wait3A, %dma_wait3A_12] : memref<1x4096xi32, #tpu.memory_space<hbm>> -> memref<1x4096xi32, #tpu.memory_space<hbm>>
      %dma_wait3A_14 = tpu.memref_squeeze %dma_wait3A_13 : memref<1x4096xi32, #tpu.memory_space<hbm>> -> memref<4096xi32, #tpu.memory_space<hbm>>
      tpu.wait_dma2 semaphore(%arg12 : memref<!tpu.dma_semaphore, #tpu.memory_space<semaphore_mem>>) src(%dma_wait3A_14 : memref<4096xi32, #tpu.memory_space<hbm>>) dst(%arg7 : memref<4096xi32, #tpu.memory_space<vmem>>)
      %dma_start3A_15 = arith.constant 0 : i32
      %dma_start3A_16 = arith.constant 0 : i32
      %dma_start3A_17 = tpu.memref_slice %arg3[%dma_start3A_15, %dma_start3A_16] : memref<1x4096xf32, #tpu.memory_space<hbm>> -> memref<1x4096xf32, #tpu.memory_space<hbm>>
      %dma_start3A_18 = tpu.memref_squeeze %dma_start3A_17 : memref<1x4096xf32, #tpu.memory_space<hbm>> -> memref<4096xf32, #tpu.memory_space<hbm>>
      %dma_start3A_19 = arith.constant 0 : i32
      %dma_start3A_20 = tpu.memref_slice %arg3[%dma_start3A_15, %dma_start3A_19] : memref<1x4096xf32, #tpu.memory_space<hbm>> -> memref<1x4096xf32, #tpu.memory_space<hbm>>
      %dma_start3A_21 = tpu.memref_squeeze %dma_start3A_20 : memref<1x4096xf32, #tpu.memory_space<hbm>> -> memref<4096xf32, #tpu.memory_space<hbm>>
      tpu.enqueue_dma source(%dma_start3A_21 : memref<4096xf32, #tpu.memory_space<hbm>>) target(%arg8 : memref<4096xf32, #tpu.memory_space<vmem>>) target_semaphore(%arg12 : memref<!tpu.dma_semaphore, #tpu.memory_space<semaphore_mem>>)
      %dma_wait3A_22 = arith.constant 0 : i32
      %dma_wait3A_23 = arith.constant 0 : i32
      %dma_wait3A_24 = tpu.memref_slice %arg3[%dma_wait3A_22, %dma_wait3A_23] : memref<1x4096xf32, #tpu.memory_space<hbm>> -> memref<1x4096xf32, #tpu.memory_space<hbm>>
      %dma_wait3A_25 = tpu.memref_squeeze %dma_wait3A_24 : memref<1x4096xf32, #tpu.memory_space<hbm>> -> memref<4096xf32, #tpu.memory_space<hbm>>
      %dma_wait3A_26 = arith.constant 0 : i32
      %dma_wait3A_27 = tpu.memref_slice %arg3[%dma_wait3A_22, %dma_wait3A_26] : memref<1x4096xf32, #tpu.memory_space<hbm>> -> memref<1x4096xf32, #tpu.memory_space<hbm>>
      %dma_wait3A_28 = tpu.memref_squeeze %dma_wait3A_27 : memref<1x4096xf32, #tpu.memory_space<hbm>> -> memref<4096xf32, #tpu.memory_space<hbm>>
      tpu.wait_dma2 semaphore(%arg12 : memref<!tpu.dma_semaphore, #tpu.memory_space<semaphore_mem>>) src(%dma_wait3A_28 : memref<4096xf32, #tpu.memory_space<hbm>>) dst(%arg8 : memref<4096xf32, #tpu.memory_space<vmem>>)
      %dma_start3A_29 = arith.constant 0 : i32
      %dma_start3A_30 = arith.constant 0 : i32
      %dma_start3A_31 = tpu.memref_slice %arg4[%dma_start3A_29, %dma_start3A_30] : memref<1x4096xi32, #tpu.memory_space<hbm>> -> memref<1x4096xi32, #tpu.memory_space<hbm>>
      %dma_start3A_32 = tpu.memref_squeeze %dma_start3A_31 : memref<1x4096xi32, #tpu.memory_space<hbm>> -> memref<4096xi32, #tpu.memory_space<hbm>>
      %dma_start3A_33 = arith.constant 0 : i32
      %dma_start3A_34 = tpu.memref_slice %arg4[%dma_start3A_29, %dma_start3A_33] : memref<1x4096xi32, #tpu.memory_space<hbm>> -> memref<1x4096xi32, #tpu.memory_space<hbm>>
      %dma_start3A_35 = tpu.memref_squeeze %dma_start3A_34 : memref<1x4096xi32, #tpu.memory_space<hbm>> -> memref<4096xi32, #tpu.memory_space<hbm>>
      tpu.enqueue_dma source(%dma_start3A_35 : memref<4096xi32, #tpu.memory_space<hbm>>) target(%arg9 : memref<4096xi32, #tpu.memory_space<vmem>>) target_semaphore(%arg12 : memref<!tpu.dma_semaphore, #tpu.memory_space<semaphore_mem>>)
      %dma_wait3A_36 = arith.constant 0 : i32
      %dma_wait3A_37 = arith.constant 0 : i32
      %dma_wait3A_38 = tpu.memref_slice %arg4[%dma_wait3A_36, %dma_wait3A_37] : memref<1x4096xi32, #tpu.memory_space<hbm>> -> memref<1x4096xi32, #tpu.memory_space<hbm>>
      %dma_wait3A_39 = tpu.memref_squeeze %dma_wait3A_38 : memref<1x4096xi32, #tpu.memory_space<hbm>> -> memref<4096xi32, #tpu.memory_space<hbm>>
      %dma_wait3A_40 = arith.constant 0 : i32
      %dma_wait3A_41 = tpu.memref_slice %arg4[%dma_wait3A_36, %dma_wait3A_40] : memref<1x4096xi32, #tpu.memory_space<hbm>> -> memref<1x4096xi32, #tpu.memory_space<hbm>>
      %dma_wait3A_42 = tpu.memref_squeeze %dma_wait3A_41 : memref<1x4096xi32, #tpu.memory_space<hbm>> -> memref<4096xi32, #tpu.memory_space<hbm>>
      tpu.wait_dma2 semaphore(%arg12 : memref<!tpu.dma_semaphore, #tpu.memory_space<semaphore_mem>>) src(%dma_wait3A_42 : memref<4096xi32, #tpu.memory_space<hbm>>) dst(%arg9 : memref<4096xi32, #tpu.memory_space<vmem>>)
      %broadcast_in_dim3A = arith.constant 0 : i32
      %broadcast_in_dim3A_43 = vector.broadcast %broadcast_in_dim3A : i32 to vector<16xi32>
      %broadcast_in_dim3A_44 = arith.constant 0.000000e+00 : f32
      %broadcast_in_dim3A_45 = vector.broadcast %broadcast_in_dim3A_44 : f32 to vector<16xf32>
      %scan3A = arith.constant 0 : i32
      %scan3A_46 = arith.constant 368 : i32
      %scan3A_47 = arith.addi %scan3A, %scan3A_46 : i32
      %scan3A_48 = arith.constant 1 : i32
      scf.for %scan3A_55 = %scan3A to %scan3A_47 step %scan3A_48  : i32 {
        %mul3A_56 = arith.constant 16 : i32
        %mul3A_57 = arith.muli %scan3A_55, %mul3A_56 : i32
        %add3A_58 = arith.constant 0 : i32
        %add3A_59 = arith.addi %add3A_58, %mul3A_57 : i32
        %swap3A = arith.index_cast %add3A_59 : i32 to index
        %swap3A_60 = tpu.vector_load %arg10[%swap3A] {strides = array<i32>} : memref<5888xi32, #tpu.memory_space<vmem>>, vector<16xi32>,
        tpu.vector_store %arg10[%swap3A], %broadcast_in_dim3A_43 {strides = array<i32>} : memref<5888xi32, #tpu.memory_space<vmem>>, vector<16xi32>,
        %swap3A_61 = arith.index_cast %add3A_59 : i32 to index
        %swap3A_62 = tpu.vector_load %arg11[%swap3A_61] {strides = array<i32>} : memref<5888xf32, #tpu.memory_space<vmem>>, vector<16xf32>,
        tpu.vector_store %arg11[%swap3A_61], %broadcast_in_dim3A_45 {strides = array<i32>} : memref<5888xf32, #tpu.memory_space<vmem>>, vector<16xf32>,
      }
      %scan3A_49 = arith.constant 368 : i32
      %scan3A_50 = arith.constant 0 : i32
      %scan3A_51 = arith.constant 256 : i32
      %scan3A_52 = arith.addi %scan3A_50, %scan3A_51 : i32
      %scan3A_53 = arith.constant 1 : i32
      scf.for %scan3A_55 = %scan3A_50 to %scan3A_52 step %scan3A_53  : i32 {
        %mul3A_56 = arith.constant 16 : i32
        %mul3A_57 = arith.muli %scan3A_55, %mul3A_56 : i32
        %add3A_58 = arith.constant 0 : i32
        %add3A_59 = arith.addi %add3A_58, %mul3A_57 : i32
        %get3A = arith.index_cast %add3A_59 : i32 to index
        %get3A_60 = tpu.vector_load %arg9[%get3A] {strides = array<i32>} : memref<4096xi32, #tpu.memory_space<vmem>>, vector<16xi32>,
        %get3A_61 = arith.index_cast %add3A_59 : i32 to index
        %get3A_62 = tpu.vector_load %arg7[%get3A_61] {strides = array<i32>} : memref<4096xi32, #tpu.memory_space<vmem>>, vector<16xi32>,
        tpu.vector_store_idx %arg10[%get3A_60], %get3A_62 : memref<5888xi32, #tpu.memory_space<vmem>>[vector<16xi32>], vector<16xi32>,
        %get3A_63 = arith.index_cast %add3A_59 : i32 to index
        %get3A_64 = tpu.vector_load %arg8[%get3A_63] {strides = array<i32>} : memref<4096xf32, #tpu.memory_space<vmem>>, vector<16xf32>,
        tpu.vector_store_idx %arg11[%get3A_60], %get3A_64 : memref<5888xf32, #tpu.memory_space<vmem>>[vector<16xi32>], vector<16xf32>,
      }
      %scan3A_54 = arith.constant 256 : i32
      tpu.enqueue_dma source(%arg10 : memref<5888xi32, #tpu.memory_space<vmem>>) target(%arg5 : memref<5888xi32, #tpu.memory_space<hbm>>) target_semaphore(%arg12 : memref<!tpu.dma_semaphore, #tpu.memory_space<semaphore_mem>>)
      tpu.wait_dma2 semaphore(%arg12 : memref<!tpu.dma_semaphore, #tpu.memory_space<semaphore_mem>>) src(%arg10 : memref<5888xi32, #tpu.memory_space<vmem>>) dst(%arg5 : memref<5888xi32, #tpu.memory_space<hbm>>)
      tpu.enqueue_dma source(%arg11 : memref<5888xf32, #tpu.memory_space<vmem>>) target(%arg6 : memref<5888xf32, #tpu.memory_space<hbm>>) target_semaphore(%arg12 : memref<!tpu.dma_semaphore, #tpu.memory_space<semaphore_mem>>)
      tpu.wait_dma2 semaphore(%arg12 : memref<!tpu.dma_semaphore, #tpu.memory_space<semaphore_mem>>) src(%arg11 : memref<5888xf32, #tpu.memory_space<vmem>>) dst(%arg6 : memref<5888xf32, #tpu.memory_space<hbm>>)
    } else {
    }
    return
  }
}

</mosaic_0001>

<sc_bundles>
// kernel: _scatter_dispatch.3.cloned.1.call-start
scs
__scs_entry_jumppad:
0x0: {  	(pc) =	sbr.rel $0x88, $3  }
0x1: {  	(tag) =	ssettag $0x0;
	lr =	simm.s32 $0x1  }
0x2: {  	[smem:$0x3F9E] =	sst lr;
	_ =	strace $0xD0000000  }
0x3: {  	_ = 	snop  }
0x4: {  	_ = 	snop  }
0x5: {  	_ = 	snop  }
0x6: {  	_ = 	snop  }
0x7: {  	_ = 	snop  }
__scs_overlays_trampoline_lowered:
0x8: {  	[smem:$0x3FAD] =	sst s0  }
0x9: {  	[smem:$0x3FAE] =	sst s1  }
0xa: {  	[smem:$0x3FAF] =	sst s2  }
0xb: {  	[smem:$0x3FB0] =	sst s3  }
0xc: {  	[smem:$0x3FB1] =	sst s4  }
0xd: {  	[smem:$0x3FB2] =	sst s5  }
0xe: {  	[smem:$0x3FB3] =	sst s6  }
0xf: {  	[smem:$0x3FB4] =	sst s7  }
0x10: {  	[smem:$0x3FB5] =	sst s8  }
0x11: {  	[smem:$0x3FB6] =	sst s9;
	s0 =	simm.s32 @!p0 $0x0  }
0x12: {  	s1 =	sld [smem:$0x3F9C];
	s0 =	simm.s32 @p0 $0x1  }
0x13: {  	[smem:$0x3FB7] =	sst s0;
	s0 =	simm.s32 @!p1 $0x0  }
0x14: {  	s2 =	sld [smem:$0x3F9B];
	s0 =	simm.s32 @p1 $0x1  }
0x15: {  	[smem:$0x3FB8] =	sst s0;
	s0 =	simm.s32 @!p2 $0x0  }
0x16: {  	s3 =	sld [smem:$0x3FDB];
	s0 =	simm.s32 @p2 $0x1  }
0x17: {  	s4 =	simm.s32 $0x1BF5;
	[smem:$0x3FBA] =	sst s0  }
0x18: {  	s0 =	sld [smem:$0x3F9D];
	_ =	swait.ge [sflag:s4], $0x0  }
0x19: {  	s7 =	sld [smem:$0x3F9E]  }
0x1a: {  	s8 =	sadd.s32 $0xFFFFE003, lr  }
0x1b: {  	s9 =	sadd.s32 $0xFFFFFEF7, lr;
	s5 =	simm.s32 $0xFFFFFFFF;
	p2 =	slt.u32 s8, $0xFFFFF086  }
0x1c: {  	p1 =	slt.u32 s9, $0xF7A;
	s5 =	simm.s32 @!p2 $0x0  }
0x1d: {  	s5 =	simm.s32 @p1 $0x1;
	p0 =	seq.s32 s7, s2  }
0x1e: {  	s7 =	smul.u32 @!p0 $0xF7A, s2;
	p2 =	seq.s32 @!p0 s5, $0x0  }
0x1f: {  	s9 =	smul.u32 $0xF7A, s1;
	s8 =	simm.s32 @!p0 $0x1BF5;
	p2 =	por !p2, p0  }
0x20: {  	[sflag:s8] =	ssyncset.s32 @!p0 $0xFFFFF086;
	s6 =	sadd.s32 @!p0 s3, s7;
	s7 =	simm.s32 @!p0 $0x108  }
0x21: {  	s3 =	sadd.s32 s3, s9;
	s6 =	sadd.s32 @!p0 $0x88, s6;
	s7 =	simm.s32 @p2 $0x1082  }
0x22: {  	[simem:s7], [sflag:s8] =	dma.local @!p0 [hbm:s6], $0xF7A  }
0x23: {  	s9 =	sor.u32 $0xD0000000, s2;
	s6 =	simm.s32 $0x108;
	_ =	swait.ge @!p0 [sflag:s8], $0x0  }
0x24: {  	s3 =	sadd.s32 $0x88, s3;
	s6 =	simm.s32 @!p1 $0x1082;
	[sflag:s4] =	ssyncset.s32 $0xFFFFF086  }
0x25: {  	[simem:s6], [sflag:s4] =	dma.local [hbm:s3], $0xF7A  }
0x26: {  	[smem:$0x3F9E] =	sst s1;
	(tag) =	ssettag s2;
	_ =	strace s9  }
0x27: {  	s1 =	sld [smem:$0x3FAE]  }
0x28: {  	s2 =	sld [smem:$0x3FAF]  }
0x29: {  	s4 =	sld [smem:$0x3FB1]  }
0x2a: {  	p0 =	seq.s32 s5, $0x0;
	s5 =	sld [smem:$0x3FB2]  }
0x2b: {  	s6 =	sld [smem:$0x3FB3]  }
0x2c: {  	s7 =	sld [smem:$0x3FB4]  }
0x2d: {  	s3 =	simm.s32 $0x108;
	s8 =	sld [smem:$0x3FB5]  }
0x2e: {  	s3 =	simm.s32 @!p0 $0x1082;
	s9 =	sld [smem:$0x3FB6]  }
0x2f: {  	lr =	sadd.s32 s0, s3;
	s0 =	sld [smem:$0x3FAD]  }
0x30: {  	s3 =	sld [smem:$0x3FB0]  }
0x31: {  	[smem:$0x3FB9] =	sst s10  }
0x32: {  	s10 =	sld [smem:$0x3FB7];
	_ =	sdelay $0x3  }
0x33: {  	p0 =	seq.s32 s10, $0x1;
	s10 =	sld [smem:$0x3FB9];
	_ =	sdelay $0x3  }
0x34: {  	[smem:$0x3FB9] =	sst s10  }
0x35: {  	s10 =	sld [smem:$0x3FB8];
	_ =	sdelay $0x3  }
0x36: {  	p1 =	seq.s32 s10, $0x1;
	s10 =	sld [smem:$0x3FB9];
	_ =	sdelay $0x3  }
0x37: {  	[smem:$0x3FB9] =	sst s10  }
0x38: {  	s10 =	sld [smem:$0x3FBA]  }
0x39: {  	_ = 	snop;
	(pc) =	sbr.ind lr, $3  }
0x3a: {  	_ = 	snop  }
0x3b: {  	_ = 	snop  }
0x3c: {  	p2 =	seq.s32 s10, $0x1;
	s10 =	sld [smem:$0x3FB9]  }
0x3d: {  	_ =	shalt  }
0x3e: {  	_ =	shalt  }
0x3f: {  	_ =	shalt  }
0x40: {  	_ =	shalt  }
0x41: {  	_ =	shalt  }
0x42: {  	_ =	shalt  }
0x43: {  	_ =	shalt  }
0x44: {  	_ =	shalt  }
0x45: {  	_ =	shalt  }
0x46: {  	_ =	shalt  }
0x47: {  	_ =	shalt  }
0x48: {  	_ =	shalt  }
0x49: {  	_ =	shalt  }
0x4a: {  	_ =	shalt  }
0x4b: {  	_ =	shalt  }
0x4c: {  	_ =	shalt  }
0x4d: {  	_ =	shalt  }
0x4e: {  	_ =	shalt  }
0x4f: {  	_ =	shalt  }
0x50: {  	_ =	shalt  }
0x51: {  	_ =	shalt  }
0x52: {  	_ =	shalt  }
0x53: {  	_ =	shalt  }
0x54: {  	_ =	shalt  }
0x55: {  	_ =	shalt  }
0x56: {  	_ =	shalt  }
0x57: {  	_ =	shalt  }
0x58: {  	_ =	shalt  }
0x59: {  	_ =	shalt  }
0x5a: {  	_ =	shalt  }
0x5b: {  	_ =	shalt  }
0x5c: {  	_ =	shalt  }
0x5d: {  	_ =	shalt  }
0x5e: {  	_ =	shalt  }
0x5f: {  	_ =	shalt  }
0x60: {  	_ =	shalt  }
0x61: {  	_ =	shalt  }
0x62: {  	_ =	shalt  }
0x63: {  	_ =	shalt  }
0x64: {  	_ =	shalt  }
0x65: {  	_ =	shalt  }
0x66: {  	_ =	shalt  }
0x67: {  	_ =	shalt  }
0x68: {  	_ =	shalt  }
0x69: {  	_ =	shalt  }
0x6a: {  	_ =	shalt  }
0x6b: {  	_ =	shalt  }
0x6c: {  	_ =	shalt  }
0x6d: {  	_ =	shalt  }
0x6e: {  	_ =	shalt  }
0x6f: {  	_ =	shalt  }
0x70: {  	_ =	shalt  }
0x71: {  	_ =	shalt  }
0x72: {  	_ =	shalt  }
0x73: {  	_ =	shalt  }
0x74: {  	_ =	shalt  }
0x75: {  	_ =	shalt  }
0x76: {  	_ =	shalt  }
0x77: {  	_ =	shalt  }
0x78: {  	_ =	shalt  }
0x79: {  	_ =	shalt  }
0x7a: {  	_ =	shalt  }
0x7b: {  	_ =	shalt  }
0x7c: {  	_ =	shalt  }
0x7d: {  	_ =	shalt  }
0x7e: {  	_ =	shalt  }
0x7f: {  	_ =	shalt  }
0x80: {  	_ =	shalt  }
0x81: {  	_ =	shalt  }
0x82: {  	_ =	shalt  }
0x83: {  	_ =	shalt  }
0x84: {  	_ =	shalt  }
0x85: {  	_ =	shalt  }
0x86: {  	_ =	shalt  }
0x87: {  	_ =	shalt  }
.Lfunc_end0:
.L_simem_size_0:
called_computation_lowered:
.L_overlay_start_0:
0x88: {  	s2 =	sld [smem:$0x3FD9]  }
0x89: {  	s3 =	sld [smem:$0x3FFE];
	_ =	sdelay $0x1  }
0x8a: {  	s1 =	srdreg.scid  }
0x8b: {  	s0 =	sand.u32 $0x1, s1  }
0x8c: {  	s15 =	sshll.u32 s0, $0xA;
	s2 =	sadd.s32 s3, s2  }
0x8d: {  	s2 =	sadd.s32 s2, s15  }
0x8e: {  	[smem:$0x3FC5] =	sst s2  }
0x8f: {  	_ = 	snop  }
0x90: {  	s2 =	sld [smem:$0x3FD0]  }
0x91: {  	s16 =	sld [smem:$0x3FC9]  }
0x92: {  	s4 =	sld [smem:$0x3FC8]  }
0x93: {  	s6 =	simm.s32 $0xA;
	s7 =	simm.s32 $0x10;
	s5 =	sld [smem:$0x3FC7]  }
0x94: {  	[smem:s7], [sflag:s6] =	dma.local [hbm:s2], $0x1  }
0x95: {  	_ =	swait.eq [sflag:s6], $0x1  }
0x96: {  	[sflag:s6] =	ssyncset.done $0x0  }
0x97: {  	s17 =	sld [smem:$0x10];
	[sflag:s6] =	ssyncadd.s32 $0xFFFFFFFF  }
0x98: {  	s18 =	sld [smem:$0x11];
	(tm) =	ssettm $0x1  }
0x99: {  	s19 =	sld [smem:$0x3FFB];
	_ =	sdelay $0x3  }
0x9a: {  	_ =	strace s19  }
0x9b: {  	s7 =	sld [smem:$0x3FFC];
	_ =	sdelay $0x3  }
0x9c: {  	_ =	strace s7  }
0x9d: {  	s7 =	sld [smem:$0x3FFD];
	_ =	sdelay $0x3  }
0x9e: {  	_ =	strace s7  }
0x9f: {  	_ =	strace $0x8FFFFFFF  }
0xa0: {  	s20 =	sld [smem:$0x3FDB];
	_ =	sdelay $0x1  }
0xa1: {  	s8 =	simm.s32 $_scs_section_size  }
0xa2: {  	s9 =	simm.s32 $_size__tile_overlayer_lowered;
	s10 =	simm.s32 $_tile_overlayer_lowered  }
0xa3: {  	s23 =	simm.s32 $0x1BFF;
	s22 =	sshll.u32 s10, $0x1;
	s7 =	sadd.s32 s8, s20  }
0xa4: {  	s11 =	simm.s32 $0x0;
	s21 =	sshll.u32 s9, $0x1;
	s9 =	sadd.s32 s22, s7  }
0xa5: {  	[timem:s11], [sflag:s23] =	dma.local [hbm:s9], s21  }
0xa6: {  	_ =	swait.ge [sflag:s23], s21  }
0xa7: {  	s8 =	ssub.s32 $0x0, s21;
	[sflag:s23] =	ssyncset.done $0x0  }
0xa8: {  	[sflag:s23] =	ssyncadd.s32 s8;
	_ =	sdelay $0x1  }
0xa9: {  	s24 =	simm.s32 $0x1B8B  }
0xaa: {  	_ =	swait.ge [sflag:s24], $0x1  }
0xab: {  	[sflag:s24] =	ssyncset.done $0x0  }
0xac: {  	s25 =	simm.s32 $0x1B8E;
	[sflag:s24] =	ssyncadd.s32 $0xFFFFFFFF  }
0xad: {  	s26 =	simm.s32 $execute0_lowered;
	[smem:$0x3FD2] =	sst s25  }
0xae: {  	s8 =	sshll.u32 s26, $0x1;
	_ =	strace $0x80000046;
	[dreg:$0x1] =	wrdreg $0xFFFFFFFF  }
0xaf: {  	s28 =	simm.s32 $_size_execute0_lowered;
	s7 =	sadd.s32 s7, s8;
	[dreg:$0x0] =	wrdreg $0x0  }
0xb0: {  	s8 =	sshll.u32 s28, $0x1;
	[dreg:$0x2] =	wrdreg s7  }
0xb1: {  	[dreg:$0x3] =	wrdreg s8  }
0xb2: {  	[dreg:$0x4] =	wrdreg $0xC0  }
0xb3: {  	_ =	task [dreg:s11], $0x5FFFF  }
0xb4: {  	[dreg:$0x1] =	wrdreg $0xFFFFFFFF  }
0xb5: {  	[dreg:$0x0] =	wrdreg $0x60  }
0xb6: {  	[dreg:$0x2] =	wrdreg s16  }
0xb7: {  	[dreg:$0x3] =	wrdreg s4  }
0xb8: {  	[dreg:$0x4] =	wrdreg s5  }
0xb9: {  	[dreg:$0x5] =	wrdreg s17  }
0xba: {  	[dreg:$0x6] =	wrdreg s18  }
0xbb: {  	[dreg:$0x7] =	wrdreg $0x9  }
0xbc: {  	_ =	task.clear_ibuf [dreg:s11], $0x8FFFF;
	_ =	strace $0x90000046  }
0xbd: {  	s29 =	simm.s32 $0x9;
	_ =	strace $0x80000048  }
0xbe: {  	_ =	swait.ge [sflag:s29], $0x1  }
0xbf: {  	[sflag:s29] =	ssyncadd.s32 $0xFFFFFFFF  }
0xc0: {  	_ =	strace $0x90000048  }
0xc1: {  	_ =	sfence  }
0xc2: {  	s30 =	sld [smem:$0x0];
	_ =	sdelay $0x2  }
0xc3: {  	s31 =	sshll.u32 s1, $0xD;
	s1 =	sshrl.u32 s1, $0x2  }
0xc4: {  	s3 =	sand.u32 $0x4000, s31;
	s1 =	sadd.s32 s1, s30  }
0xc5: {  	s0 =	sor.u32 s3, s0;
	s1 =	sshll.u32 s1, $0x11  }
0xc6: {  	s0 =	sor.u32 s1, s0  }
0xc7: {  	s0 =	sadd.s32 $0x8F2B, s0  }
0xc8: {  	[sflag:s0] =	ssyncadd.remote.s32 $0x1  }
0xc9: {  	_ =	sfence.sel $0xFFFF  }
0xca: {  	[dreg:$0x0] =	wrdreg $0xFFFFFFFF;
	(pc) =	sbr.abs _section_cstart, $3  }
0xcb: {  	[dreg:$0x1] =	wrdreg $0xFFFFFFFF  }
0xcc: {  	_ =	task.clear_ibuf [dreg:s11], $0x2FFFF;
	_ =	strace $0x9FFFFFFF  }
0xcd: {  	(tm) =	ssettm $0x7FFFFFFF  }
tec
execute0_lowered:
.L_overlay_start_1:
0x0: {  	(tag) =	ssettag $0x1  }
0x1: {  	s2 =	srdreg.scid  }
0x2: {  	s7 =	sand.u32 $0x1, s2;
	s2 =	stileid.u32  }
0x3: {  	s8 =	sshll.u32 s7, $0x4;
	s9 =	ssub.s32 $0x0, s2  }
0x4: {  	s0 =	rddreg [dreg:$0x0];
	p0 =	sne.s32 s8, s9  }
.Ltmp0:
0x5: {  	s1 =	rddreg [dreg:$0x1];
	(pc) =	sbr.rel @p0 .LBB2_7-.Ltmp0, $4  }
0x6: {  	s3 =	rddreg [dreg:$0x2]  }
0x7: {  	s5 =	rddreg [dreg:$0x3]  }
0x8: {  	s6 =	rddreg [dreg:$0x4]  }
0x9: {  	s4 =	rddreg [dreg:$0x5];
	_ =	strace $0x80000047  }
0xa: {  	s7 =	ssub.s32 $0x2, s7;
	s9 =	simm.s32 $0x1  }
0xb: {  	s10 =	simm.s32 $0x1000;
	s11 =	simm.s32 $0x2000;
	s8 =	sshrl.u32 s7, $0x1  }
0xc: {  	s12 =	simm.s32 $0x3000;
	s13 =	simm.s32 $0x4700;
	s7 =	ssub.s32 s7, s8  }
0xd: {  	v0 =	vimm.s32 $0x0;
	v1 =	vimm.f32 $0.0e+00;
	s14 =	simm.s32 $0x0;
	s8 =	simm.s32 $0x0;
	s7 =	smax.u32 s7, $0x1  }
.LBB2_2:
0xe: {  	[tilespmem:s8], [sflag:$0x1] =	stream.linear.gather [hbm4b:s0+s8], $0x1000, $0x38;
	[tilespmem:$0x5E00] =	vst v63  }
0xf: {  	_ =	swait.ge [sflag:s9], $0x1000  }
0x10: {  	[sflag:s9] =	ssyncset.done $0x0  }
0x11: {  	[sflag:s9] =	ssyncadd.s32 $0xFFFFF000  }
0x12: {  	[tilespmem:s10], [sflag:$0x1] =	stream.linear.gather [hbm4b:s1+s8], $0x1000, $0x38;
	[tilespmem:$0x5E00] =	vst v63  }
0x13: {  	_ =	swait.ge [sflag:s9], $0x1000  }
0x14: {  	[sflag:s9] =	ssyncset.done $0x0  }
0x15: {  	[sflag:s9] =	ssyncadd.s32 $0xFFFFF000  }
0x16: {  	[tilespmem:s11], [sflag:$0x1] =	stream.linear.gather [hbm4b:s3+s8], $0x1000, $0x38;
	[tilespmem:$0x5E00] =	vst v63  }
0x17: {  	_ =	swait.ge [sflag:s9], $0x1000  }
0x18: {  	[sflag:s9] =	ssyncset.done $0x0  }
0x19: {  	s15 =	simm.s32 $0x0;
	[sflag:s9] =	ssyncadd.s32 $0xFFFFF000  }
.LBB2_3:
0x1a: {  	p0 =	sne.s32 s15, $0x5BC0  }
.Ltmp1:
0x1b: {  	_ = 	snop;
	(pc) =	sbr.rel @p0 .LBB2_3-.Ltmp1, $4  }
0x1c: {  	_ = 	snop  }
0x1d: {  	s16 =	sshra.s32 s15, $0x2  }
0x1e: {  	[tilespmem:s16+$0x3000] =	vst v0  }
0x1f: {  	s15 =	sadd.s32 $0x40, s15;
	[tilespmem:s16+$0x4700] =	vst v1  }
0x20: {  	s17 =	simm.s32 $0x0  }
0x21: {  	v2 =	vld [tilespmem:s17+$0x2000];
	_ =	sdelay $0x2  }
0x22: {  	v3 =	vld [tilespmem:s17+$0x0];
	_ =	sdelay $0x4  }
0x23: {  	[tilespmem:v2+s12+$0x0] =	vst.idx.msk $0xffff, v3  }
0x24: {  	s15 =	simm.s32 $0x40;
	s16 =	simm.s32 $0x80;
	v3 =	vld [tilespmem:s17+$0x1000]  }
.LBB2_5:
0x25: {  	_ =	sdelay $0x2  }
0x26: {  	p0 =	sne.s32 s16, $0x3FC0  }
0x27: {  	s17 =	sshra.s32 s15, $0x2;
	s15 =	smov.u32 s16;
	s16 =	sadd.s32 $0x40, s16;
	[tilespmem:v2+s13+$0x0] =	vst.idx.msk $0xffff, v3  }
0x28: {  	v2 =	vld [tilespmem:s17+$0x2000];
	_ =	sdelay $0x2  }
0x29: {  	v3 =	vld [tilespmem:s17+$0x0];
	_ =	sdelay $0x1  }
.Ltmp2:
0x2a: {  	(pc) =	sbr.rel @p0 .LBB2_5-.Ltmp2, $3  }
0x2b: {  	_ =	sdelay $0x1  }
0x2c: {  	[tilespmem:v2+s12+$0x0] =	vst.idx.msk $0xffff, v3  }
0x2d: {  	v3 =	vld [tilespmem:s17+$0x1000]  }
0x2e: {  	_ =	sdelay $0x3  }
0x2f: {  	s15 =	sshra.s32 s15, $0x2;
	[tilespmem:v2+s13+$0x0] =	vst.idx.msk $0xffff, v3  }
0x30: {  	v2 =	vld [tilespmem:s15+$0x2000];
	_ =	sdelay $0x2  }
0x31: {  	v3 =	vld [tilespmem:s15+$0x0];
	_ =	sdelay $0x4  }
0x32: {  	[tilespmem:v2+s12+$0x0] =	vst.idx.msk $0xffff, v3  }
0x33: {  	v3 =	vld [tilespmem:s15+$0x1000];
	_ =	sdelay $0x4  }
0x34: {  	[tilespmem:v2+s13+$0x0] =	vst.idx.msk $0xffff, v3  }
0x35: {  	[hbm4b:s5+s8] =	stream.linear.scatter [tilespmem:s12], [sflag:$0x1], $0x1700, $0x38;
	[tilespmem:$0x5E00] =	vst v63  }
0x36: {  	s14 =	sadd.s32 $0x1, s14;
	_ =	swait.ge [sflag:s9], $0x1700  }
0x37: {  	p0 =	sne.s32 s14, s7;
	[sflag:s9] =	ssyncset.done $0x0  }
.Ltmp3:
0x38: {  	[sflag:s9] =	ssyncadd.s32 $0xFFFFE900;
	(pc) =	sbr.rel @p0 .LBB2_2-.Ltmp3, $4  }
0x39: {  	[hbm4b:s6+s8] =	stream.linear.scatter [tilespmem:s13], [sflag:$0x1], $0x1700, $0x38;
	[tilespmem:$0x5E00] =	vst v63  }
0x3a: {  	_ =	swait.ge [sflag:s9], $0x1700  }
0x3b: {  	[sflag:s9] =	ssyncset.done $0x0  }
0x3c: {  	[sflag:s9] =	ssyncadd.s32 $0xFFFFE900  }
.LBB2_7:
0x3d: {  	_ =	sfence.sel $0x180000  }
0x3e: {  	[bflag:$0x0] =	sbarrier.arrive $0xFFFF  }
0x3f: {  	p0 =	sne.s32 s2, $0x0;
	_ =	strace $0x90000047  }
0x40: {  	s0 =	sadd.s32 @!p0 $0x100000, s4;
	[bflag:$0x2] =	sbarrier.arrive $0xFFFF  }
0x41: {  	[sflag:s0] =	ssyncadd.tile.s32 @!p0 $0x1;
	_ =	shalt  }
.Lfunc_end2:
_tile_overlayer_lowered:
.L_overlay_start_2:
0x42: {  	(tag) =	ssettag $0x2  }
0x43: {  	s0 =	rddreg [dreg:$0x0];
	s2 =	stileid.u32  }
0x44: {  	s1 =	rddreg [dreg:$0x1];
	p0 =	sne.s32 s2, $0x0  }
0x45: {  	s3 =	rddreg [dreg:$0x2];
	[bflag:$0x3] =	sbarrier.arrive $0xFFFF;
	s2 =	simm.s32 @!p0 $0x1C02  }
0x46: {  	[timem:s3], [sflag:s2] =	dma.local @!p0 [hbm:s0], s1  }
0x47: {  	s0 =	simm.s32 @!p0 $0x2  }
0x48: {  	_ =	swait.ge @!p0 [sflag:s0], s1  }
0x49: {  	s1 =	ssub.s32 @!p0 $0x0, s1;
	[sflag:s0] =	ssyncset.done @!p0 $0x0  }
0x4a: {  	[sflag:s0] =	ssyncadd.s32 @!p0 s1  }
0x4b: {  	[bflag:$0x3] =	sbarrier.arrive $0xFFFF  }
0x4c: {  	_ =	shalt  }

</sc_bundles>
